<compile_context>
chip_gen: v7x
topology: tpu7x:2x2x1
jax: 0.10.2.dev20260603
libtpu: 0.0.44.dev20260713+nightly
codegen_flags: <defaults>
</compile_context>

<pallas_src>
import functools
import jax
import jax.numpy as jnp
from jax import lax
from jax.experimental import pallas as pl
from jax.experimental.pallas import tpu as pltpu
from jax.experimental.pallas import tpu_sc as plsc


_TOTAL = 4 * 192 * 224 * 224
_PER_SC = _TOTAL // 2
_C = 393216
_NCH = _PER_SC // _C
_NB = 4
_FULL = _NCH // _NB
_REM = _NCH % _NB


def _body(x_hbm, o_hbm, *refs):
    bufs = refs[:_NB]
    in_sem, out_sem = refs[_NB], refs[_NB + 1]

    cid = lax.axis_index("c")
    sid = lax.axis_index("s")

    @pl.when(sid == 0)
    def _():
        base = cid * _PER_SC

        def in_copy(off, b):
            return pltpu.make_async_copy(
                x_hbm.at[pl.ds(off, _C)], bufs[b], in_sem.at[b]
            )

        def out_copy(off, b):
            return pltpu.make_async_copy(
                bufs[b], o_hbm.at[pl.ds(off, _C)], out_sem.at[b]
            )

        for b in range(_NB):
            in_copy(base + b * _C, b).start()

        @pl.loop(0, _FULL)
        def _(g0):
            for b in range(_NB):
                g = g0 * _NB + b
                off = base + g * _C
                in_copy(off, b).wait()

                @pl.when(g0 > 0)
                def _():
                    out_copy(off - _NB * _C, b).wait()

                out_copy(off, b).start()

                @pl.when(g0 + 1 < _FULL)
                def _():
                    in_copy(off + _NB * _C, b).start()

        for j in range(_REM):
            g = _FULL * _NB + j
            b = g % _NB
            off = base + g * _C
            out_copy(off - _NB * _C, b).wait()
            in_copy(off, b).start()
            in_copy(off, b).wait()
            out_copy(off, b).start()

        for g in range(_NCH - _NB, _NCH):
            out_copy(base + g * _C, g % _NB).wait()


_pump = functools.partial(
    pl.kernel,
    out_type=jax.ShapeDtypeStruct((_TOTAL,), jnp.float32),
    mesh=plsc.VectorSubcoreMesh(core_axis_name="c", subcore_axis_name="s"),
    scratch_types=(
        [pltpu.MemorySpace.VMEM_SHARED((_C,), jnp.float32) for _ in range(_NB)]
        + [pltpu.SemaphoreType.DMA((_NB,)),
           pltpu.SemaphoreType.DMA((_NB,))]
    ),
)(_body)


def kernel(x):
    return _pump(x.reshape(_TOTAL)).reshape(x.shape)

# --- scband reference (transcript-rebuilt; emitter-appended) ---
"""Pipeline reference for scband-cluster-relu-15221364097490 (READ-ONLY COPY).

The authoritative reference and input builder live on the scoring server;
editing this copy changes nothing except your own understanding.
"""

import jax, jax.numpy as jnp
import numpy as np


def setup_inputs(seed: int = 0) -> dict:
    key = jax.random.key(seed)
    x = jax.random.normal(key, (4, 192, 224, 224), dtype=jnp.float32)
    return {"x": x}


def reference(x):
    # ClusterRelu with is_dummy=True reduces to a plain ReLU:
    #   forward(x) = self.relu(x)
    # The cluster/prototype/decision buffers (_crelu_channels, _labels, etc.)
    # are registered as None at __init__ and are only populated via
    # set_default_values()/setters, so the non-dummy path cannot run from
    # __init__ alone without raising CReluNotInitError-style None checks.
    return jnp.maximum(x, 0.0)

if __name__ == "__main__":
    import jax
    _d = setup_inputs()
    print(jax.jit(kernel)(*tuple(_d.values())))

</pallas_src>

<mosaic_0001>
#map = affine_map<(d0, d1) -> (0)>
module attributes {stable_mosaic.version = 14 : i64} {
  func.func @_body(%arg0: i32, %arg1: i32, %arg2: memref<38535168xf32, #tpu.memory_space<hbm>>, %arg3: memref<38535168xf32, #tpu.memory_space<hbm>>, %arg4: memref<393216xf32, #tpu.memory_space<vmem_shared>>, %arg5: memref<393216xf32, #tpu.memory_space<vmem_shared>>, %arg6: memref<393216xf32, #tpu.memory_space<vmem_shared>>, %arg7: memref<393216xf32, #tpu.memory_space<vmem_shared>>, %arg8: memref<4x!tpu.dma_semaphore, #tpu.memory_space<semaphore_mem>>, %arg9: memref<4x!tpu.dma_semaphore, #tpu.memory_space<semaphore_mem>>) attributes {dimension_semantics = [#tpu.dimension_semantics<core_parallel>, #tpu.dimension_semantics<subcore_parallel>], iteration_bounds = array<i64: 2, 16>, scalar_prefetch = 0 : i64, scratch_operands = 6 : i64, tpu.core_type = #tpu.core_type<sc_vector_subcore>, window_params = [{transform_indices = #map}, {transform_indices = #map}]} {
    %eq3A = arith.constant 0 : i32
    %eq3A_0 = arith.cmpi eq, %arg1, %eq3A : i32
    %convert_element_type3A = arith.extui %eq3A_0 : i1 to i32
    %cond3A = arith.constant 0 : i32
    %cond3A_1 = arith.cmpi ne, %convert_element_type3A, %cond3A : i32
    scf.if %cond3A_1 {
      %mul3A = arith.constant 19267584 : i32
      %mul3A_2 = arith.muli %arg0, %mul3A : i32
      %add3A = arith.constant 0 : i32
      %add3A_3 = arith.addi %mul3A_2, %add3A : i32
      %dma_start3A = arith.constant 0 : i32
      %dma_start3A_4 = tpu.memref_slice %arg8[%dma_start3A] : memref<4x!tpu.dma_semaphore, #tpu.memory_space<semaphore_mem>> -> memref<1x!tpu.dma_semaphore, #tpu.memory_space<semaphore_mem>>
      %dma_start3A_5 = tpu.memref_squeeze %dma_start3A_4 : memref<1x!tpu.dma_semaphore, #tpu.memory_space<semaphore_mem>> -> memref<!tpu.dma_semaphore, #tpu.memory_space<semaphore_mem>>
      %dma_start3A_6 = tpu.memref_slice %arg2[%add3A_3] : memref<38535168xf32, #tpu.memory_space<hbm>> -> memref<393216xf32, #tpu.memory_space<hbm>>
      tpu.enqueue_dma source(%dma_start3A_6 : memref<393216xf32, #tpu.memory_space<hbm>>) target(%arg4 : memref<393216xf32, #tpu.memory_space<vmem_shared>>) target_semaphore(%dma_start3A_5 : memref<!tpu.dma_semaphore, #tpu.memory_space<semaphore_mem>>)
      %add3A_7 = arith.constant 393216 : i32
      %add3A_8 = arith.addi %mul3A_2, %add3A_7 : i32
      %dma_start3A_9 = arith.constant 1 : i32
      %dma_start3A_10 = tpu.memref_slice %arg8[%dma_start3A_9] : memref<4x!tpu.dma_semaphore, #tpu.memory_space<semaphore_mem>> -> memref<1x!tpu.dma_semaphore, #tpu.memory_space<semaphore_mem>>
      %dma_start3A_11 = tpu.memref_squeeze %dma_start3A_10 : memref<1x!tpu.dma_semaphore, #tpu.memory_space<semaphore_mem>> -> memref<!tpu.dma_semaphore, #tpu.memory_space<semaphore_mem>>
      %dma_start3A_12 = tpu.memref_slice %arg2[%add3A_8] : memref<38535168xf32, #tpu.memory_space<hbm>> -> memref<393216xf32, #tpu.memory_space<hbm>>
      tpu.enqueue_dma source(%dma_start3A_12 : memref<393216xf32, #tpu.memory_space<hbm>>) target(%arg5 : memref<393216xf32, #tpu.memory_space<vmem_shared>>) target_semaphore(%dma_start3A_11 : memref<!tpu.dma_semaphore, #tpu.memory_space<semaphore_mem>>)
      %add3A_13 = arith.constant 786432 : i32
      %add3A_14 = arith.addi %mul3A_2, %add3A_13 : i32
      %dma_start3A_15 = arith.constant 2 : i32
      %dma_start3A_16 = tpu.memref_slice %arg8[%dma_start3A_15] : memref<4x!tpu.dma_semaphore, #tpu.memory_space<semaphore_mem>> -> memref<1x!tpu.dma_semaphore, #tpu.memory_space<semaphore_mem>>
      %dma_start3A_17 = tpu.memref_squeeze %dma_start3A_16 : memref<1x!tpu.dma_semaphore, #tpu.memory_space<semaphore_mem>> -> memref<!tpu.dma_semaphore, #tpu.memory_space<semaphore_mem>>
      %dma_start3A_18 = tpu.memref_slice %arg2[%add3A_14] : memref<38535168xf32, #tpu.memory_space<hbm>> -> memref<393216xf32, #tpu.memory_space<hbm>>
      tpu.enqueue_dma source(%dma_start3A_18 : memref<393216xf32, #tpu.memory_space<hbm>>) target(%arg6 : memref<393216xf32, #tpu.memory_space<vmem_shared>>) target_semaphore(%dma_start3A_17 : memref<!tpu.dma_semaphore, #tpu.memory_space<semaphore_mem>>)
      %add3A_19 = arith.constant 1179648 : i32
      %add3A_20 = arith.addi %mul3A_2, %add3A_19 : i32
      %dma_start3A_21 = arith.constant 3 : i32
      %dma_start3A_22 = tpu.memref_slice %arg8[%dma_start3A_21] : memref<4x!tpu.dma_semaphore, #tpu.memory_space<semaphore_mem>> -> memref<1x!tpu.dma_semaphore, #tpu.memory_space<semaphore_mem>>
      %dma_start3A_23 = tpu.memref_squeeze %dma_start3A_22 : memref<1x!tpu.dma_semaphore, #tpu.memory_space<semaphore_mem>> -> memref<!tpu.dma_semaphore, #tpu.memory_space<semaphore_mem>>
      %dma_start3A_24 = tpu.memref_slice %arg2[%add3A_20] : memref<38535168xf32, #tpu.memory_space<hbm>> -> memref<393216xf32, #tpu.memory_space<hbm>>
      tpu.enqueue_dma source(%dma_start3A_24 : memref<393216xf32, #tpu.memory_space<hbm>>) target(%arg7 : memref<393216xf32, #tpu.memory_space<vmem_shared>>) target_semaphore(%dma_start3A_23 : memref<!tpu.dma_semaphore, #tpu.memory_space<semaphore_mem>>)
      %scan3A = arith.constant 0 : i32
      %scan3A_25 = arith.constant 12 : i32
      %scan3A_26 = arith.addi %scan3A, %scan3A_25 : i32
      %scan3A_27 = arith.constant 1 : i32
      scf.for %scan3A_71 = %scan3A to %scan3A_26 step %scan3A_27  : i32 {
        %mul3A_72 = arith.constant 1 : i32
        %mul3A_73 = arith.muli %scan3A_71, %mul3A_72 : i32
        %add3A_74 = arith.constant 0 : i32
        %add3A_75 = arith.addi %add3A_74, %mul3A_73 : i32
        %mul3A_76 = arith.constant 4 : i32
        %mul3A_77 = arith.muli %add3A_75, %mul3A_76 : i32
        %add3A_78 = arith.constant 0 : i32
        %add3A_79 = arith.addi %mul3A_77, %add3A_78 : i32
        %mul3A_80 = arith.constant 393216 : i32
        %mul3A_81 = arith.muli %add3A_79, %mul3A_80 : i32
        %add3A_82 = arith.addi %mul3A_2, %mul3A_81 : i32
        %dma_wait3A_83 = arith.constant 0 : i32
        %dma_wait3A_84 = tpu.memref_slice %arg8[%dma_wait3A_83] : memref<4x!tpu.dma_semaphore, #tpu.memory_space<semaphore_mem>> -> memref<1x!tpu.dma_semaphore, #tpu.memory_space<semaphore_mem>>
        %dma_wait3A_85 = tpu.memref_squeeze %dma_wait3A_84 : memref<1x!tpu.dma_semaphore, #tpu.memory_space<semaphore_mem>> -> memref<!tpu.dma_semaphore, #tpu.memory_space<semaphore_mem>>
        %dma_wait3A_86 = tpu.memref_slice %arg2[%add3A_82] : memref<38535168xf32, #tpu.memory_space<hbm>> -> memref<393216xf32, #tpu.memory_space<hbm>>
        tpu.wait_dma2 semaphore(%dma_wait3A_85 : memref<!tpu.dma_semaphore, #tpu.memory_space<semaphore_mem>>) src(%dma_wait3A_86 : memref<393216xf32, #tpu.memory_space<hbm>>) dst(%arg4 : memref<393216xf32, #tpu.memory_space<vmem_shared>>)
        %gt3A = arith.constant 0 : i32
        %gt3A_87 = arith.cmpi sgt, %add3A_75, %gt3A : i32
        %convert_element_type3A_88 = arith.extui %gt3A_87 : i1 to i32
        %cond3A_89 = arith.constant 0 : i32
        %cond3A_90 = arith.cmpi ne, %convert_element_type3A_88, %cond3A_89 : i32
        scf.if %cond3A_90 {
          %sub3A_182 = arith.constant 1572864 : i32
          %sub3A_183 = arith.subi %add3A_82, %sub3A_182 : i32
          %dma_wait3A_184 = arith.constant 0 : i32
          %dma_wait3A_185 = tpu.memref_slice %arg9[%dma_wait3A_184] : memref<4x!tpu.dma_semaphore, #tpu.memory_space<semaphore_mem>> -> memref<1x!tpu.dma_semaphore, #tpu.memory_space<semaphore_mem>>
          %dma_wait3A_186 = tpu.memref_squeeze %dma_wait3A_185 : memref<1x!tpu.dma_semaphore, #tpu.memory_space<semaphore_mem>> -> memref<!tpu.dma_semaphore, #tpu.memory_space<semaphore_mem>>
          %dma_wait3A_187 = tpu.memref_slice %arg3[%sub3A_183] : memref<38535168xf32, #tpu.memory_space<hbm>> -> memref<393216xf32, #tpu.memory_space<hbm>>
          tpu.wait_dma2 semaphore(%dma_wait3A_186 : memref<!tpu.dma_semaphore, #tpu.memory_space<semaphore_mem>>) src(%arg4 : memref<393216xf32, #tpu.memory_space<vmem_shared>>) dst(%dma_wait3A_187 : memref<393216xf32, #tpu.memory_space<hbm>>)
        } else {
        }
        %dma_start3A_91 = arith.constant 0 : i32
        %dma_start3A_92 = tpu.memref_slice %arg9[%dma_start3A_91] : memref<4x!tpu.dma_semaphore, #tpu.memory_space<semaphore_mem>> -> memref<1x!tpu.dma_semaphore, #tpu.memory_space<semaphore_mem>>
        %dma_start3A_93 = tpu.memref_squeeze %dma_start3A_92 : memref<1x!tpu.dma_semaphore, #tpu.memory_space<semaphore_mem>> -> memref<!tpu.dma_semaphore, #tpu.memory_space<semaphore_mem>>
        %dma_start3A_94 = tpu.memref_slice %arg3[%add3A_82] : memref<38535168xf32, #tpu.memory_space<hbm>> -> memref<393216xf32, #tpu.memory_space<hbm>>
        tpu.enqueue_dma source(%arg4 : memref<393216xf32, #tpu.memory_space<vmem_shared>>) target(%dma_start3A_94 : memref<393216xf32, #tpu.memory_space<hbm>>) target_semaphore(%dma_start3A_93 : memref<!tpu.dma_semaphore, #tpu.memory_space<semaphore_mem>>)
        %add3A_95 = arith.constant 1 : i32
        %add3A_96 = arith.addi %add3A_75, %add3A_95 : i32
        %lt3A = arith.constant 12 : i32
        %lt3A_97 = arith.cmpi slt, %add3A_96, %lt3A : i32
        %convert_element_type3A_98 = arith.extui %lt3A_97 : i1 to i32
        %cond3A_99 = arith.constant 0 : i32
        %cond3A_100 = arith.cmpi ne, %convert_element_type3A_98, %cond3A_99 : i32
        scf.if %cond3A_100 {
          %add3A_182 = arith.constant 1572864 : i32
          %add3A_183 = arith.addi %add3A_82, %add3A_182 : i32
          %dma_start3A_184 = arith.constant 0 : i32
          %dma_start3A_185 = tpu.memref_slice %arg8[%dma_start3A_184] : memref<4x!tpu.dma_semaphore, #tpu.memory_space<semaphore_mem>> -> memref<1x!tpu.dma_semaphore, #tpu.memory_space<semaphore_mem>>
          %dma_start3A_186 = tpu.memref_squeeze %dma_start3A_185 : memref<1x!tpu.dma_semaphore, #tpu.memory_space<semaphore_mem>> -> memref<!tpu.dma_semaphore, #tpu.memory_space<semaphore_mem>>
          %dma_start3A_187 = tpu.memref_slice %arg2[%add3A_183] : memref<38535168xf32, #tpu.memory_space<hbm>> -> memref<393216xf32, #tpu.memory_space<hbm>>
          tpu.enqueue_dma source(%dma_start3A_187 : memref<393216xf32, #tpu.memory_space<hbm>>) target(%arg4 : memref<393216xf32, #tpu.memory_space<vmem_shared>>) target_semaphore(%dma_start3A_186 : memref<!tpu.dma_semaphore, #tpu.memory_space<semaphore_mem>>)
        } else {
        }
        %mul3A_101 = arith.constant 4 : i32
        %mul3A_102 = arith.muli %add3A_75, %mul3A_101 : i32
        %add3A_103 = arith.constant 1 : i32
        %add3A_104 = arith.addi %mul3A_102, %add3A_103 : i32
        %mul3A_105 = arith.constant 393216 : i32
        %mul3A_106 = arith.muli %add3A_104, %mul3A_105 : i32
        %add3A_107 = arith.addi %mul3A_2, %mul3A_106 : i32
        %dma_wait3A_108 = arith.constant 1 : i32
        %dma_wait3A_109 = tpu.memref_slice %arg8[%dma_wait3A_108] : memref<4x!tpu.dma_semaphore, #tpu.memory_space<semaphore_mem>> -> memref<1x!tpu.dma_semaphore, #tpu.memory_space<semaphore_mem>>
        %dma_wait3A_110 = tpu.memref_squeeze %dma_wait3A_109 : memref<1x!tpu.dma_semaphore, #tpu.memory_space<semaphore_mem>> -> memref<!tpu.dma_semaphore, #tpu.memory_space<semaphore_mem>>
        %dma_wait3A_111 = tpu.memref_slice %arg2[%add3A_107] : memref<38535168xf32, #tpu.memory_space<hbm>> -> memref<393216xf32, #tpu.memory_space<hbm>>
        tpu.wait_dma2 semaphore(%dma_wait3A_110 : memref<!tpu.dma_semaphore, #tpu.memory_space<semaphore_mem>>) src(%dma_wait3A_111 : memref<393216xf32, #tpu.memory_space<hbm>>) dst(%arg5 : memref<393216xf32, #tpu.memory_space<vmem_shared>>)
        %gt3A_112 = arith.constant 0 : i32
        %gt3A_113 = arith.cmpi sgt, %add3A_75, %gt3A_112 : i32
        %convert_element_type3A_114 = arith.extui %gt3A_113 : i1 to i32
        %cond3A_115 = arith.constant 0 : i32
        %cond3A_116 = arith.cmpi ne, %convert_element_type3A_114, %cond3A_115 : i32
        scf.if %cond3A_116 {
          %sub3A_182 = arith.constant 1572864 : i32
          %sub3A_183 = arith.subi %add3A_107, %sub3A_182 : i32
          %dma_wait3A_184 = arith.constant 1 : i32
          %dma_wait3A_185 = tpu.memref_slice %arg9[%dma_wait3A_184] : memref<4x!tpu.dma_semaphore, #tpu.memory_space<semaphore_mem>> -> memref<1x!tpu.dma_semaphore, #tpu.memory_space<semaphore_mem>>
          %dma_wait3A_186 = tpu.memref_squeeze %dma_wait3A_185 : memref<1x!tpu.dma_semaphore, #tpu.memory_space<semaphore_mem>> -> memref<!tpu.dma_semaphore, #tpu.memory_space<semaphore_mem>>
          %dma_wait3A_187 = tpu.memref_slice %arg3[%sub3A_183] : memref<38535168xf32, #tpu.memory_space<hbm>> -> memref<393216xf32, #tpu.memory_space<hbm>>
          tpu.wait_dma2 semaphore(%dma_wait3A_186 : memref<!tpu.dma_semaphore, #tpu.memory_space<semaphore_mem>>) src(%arg5 : memref<393216xf32, #tpu.memory_space<vmem_shared>>) dst(%dma_wait3A_187 : memref<393216xf32, #tpu.memory_space<hbm>>)
        } else {
        }
        %dma_start3A_117 = arith.constant 1 : i32
        %dma_start3A_118 = tpu.memref_slice %arg9[%dma_start3A_117] : memref<4x!tpu.dma_semaphore, #tpu.memory_space<semaphore_mem>> -> memref<1x!tpu.dma_semaphore, #tpu.memory_space<semaphore_mem>>
        %dma_start3A_119 = tpu.memref_squeeze %dma_start3A_118 : memref<1x!tpu.dma_semaphore, #tpu.memory_space<semaphore_mem>> -> memref<!tpu.dma_semaphore, #tpu.memory_space<semaphore_mem>>
        %dma_start3A_120 = tpu.memref_slice %arg3[%add3A_107] : memref<38535168xf32, #tpu.memory_space<hbm>> -> memref<393216xf32, #tpu.memory_space<hbm>>
        tpu.enqueue_dma source(%arg5 : memref<393216xf32, #tpu.memory_space<vmem_shared>>) target(%dma_start3A_120 : memref<393216xf32, #tpu.memory_space<hbm>>) target_semaphore(%dma_start3A_119 : memref<!tpu.dma_semaphore, #tpu.memory_space<semaphore_mem>>)
        %add3A_121 = arith.constant 1 : i32
        %add3A_122 = arith.addi %add3A_75, %add3A_121 : i32
        %lt3A_123 = arith.constant 12 : i32
        %lt3A_124 = arith.cmpi slt, %add3A_122, %lt3A_123 : i32
        %convert_element_type3A_125 = arith.extui %lt3A_124 : i1 to i32
        %cond3A_126 = arith.constant 0 : i32
        %cond3A_127 = arith.cmpi ne, %convert_element_type3A_125, %cond3A_126 : i32
        scf.if %cond3A_127 {
          %add3A_182 = arith.constant 1572864 : i32
          %add3A_183 = arith.addi %add3A_107, %add3A_182 : i32
          %dma_start3A_184 = arith.constant 1 : i32
          %dma_start3A_185 = tpu.memref_slice %arg8[%dma_start3A_184] : memref<4x!tpu.dma_semaphore, #tpu.memory_space<semaphore_mem>> -> memref<1x!tpu.dma_semaphore, #tpu.memory_space<semaphore_mem>>
          %dma_start3A_186 = tpu.memref_squeeze %dma_start3A_185 : memref<1x!tpu.dma_semaphore, #tpu.memory_space<semaphore_mem>> -> memref<!tpu.dma_semaphore, #tpu.memory_space<semaphore_mem>>
          %dma_start3A_187 = tpu.memref_slice %arg2[%add3A_183] : memref<38535168xf32, #tpu.memory_space<hbm>> -> memref<393216xf32, #tpu.memory_space<hbm>>
          tpu.enqueue_dma source(%dma_start3A_187 : memref<393216xf32, #tpu.memory_space<hbm>>) target(%arg5 : memref<393216xf32, #tpu.memory_space<vmem_shared>>) target_semaphore(%dma_start3A_186 : memref<!tpu.dma_semaphore, #tpu.memory_space<semaphore_mem>>)
        } else {
        }
        %mul3A_128 = arith.constant 4 : i32
        %mul3A_129 = arith.muli %add3A_75, %mul3A_128 : i32
        %add3A_130 = arith.constant 2 : i32
        %add3A_131 = arith.addi %mul3A_129, %add3A_130 : i32
        %mul3A_132 = arith.constant 393216 : i32
        %mul3A_133 = arith.muli %add3A_131, %mul3A_132 : i32
        %add3A_134 = arith.addi %mul3A_2, %mul3A_133 : i32
        %dma_wait3A_135 = arith.constant 2 : i32
        %dma_wait3A_136 = tpu.memref_slice %arg8[%dma_wait3A_135] : memref<4x!tpu.dma_semaphore, #tpu.memory_space<semaphore_mem>> -> memref<1x!tpu.dma_semaphore, #tpu.memory_space<semaphore_mem>>
        %dma_wait3A_137 = tpu.memref_squeeze %dma_wait3A_136 : memref<1x!tpu.dma_semaphore, #tpu.memory_space<semaphore_mem>> -> memref<!tpu.dma_semaphore, #tpu.memory_space<semaphore_mem>>
        %dma_wait3A_138 = tpu.memref_slice %arg2[%add3A_134] : memref<38535168xf32, #tpu.memory_space<hbm>> -> memref<393216xf32, #tpu.memory_space<hbm>>
        tpu.wait_dma2 semaphore(%dma_wait3A_137 : memref<!tpu.dma_semaphore, #tpu.memory_space<semaphore_mem>>) src(%dma_wait3A_138 : memref<393216xf32, #tpu.memory_space<hbm>>) dst(%arg6 : memref<393216xf32, #tpu.memory_space<vmem_shared>>)
        %gt3A_139 = arith.constant 0 : i32
        %gt3A_140 = arith.cmpi sgt, %add3A_75, %gt3A_139 : i32
        %convert_element_type3A_141 = arith.extui %gt3A_140 : i1 to i32
        %cond3A_142 = arith.constant 0 : i32
        %cond3A_143 = arith.cmpi ne, %convert_element_type3A_141, %cond3A_142 : i32
        scf.if %cond3A_143 {
          %sub3A_182 = arith.constant 1572864 : i32
          %sub3A_183 = arith.subi %add3A_134, %sub3A_182 : i32
          %dma_wait3A_184 = arith.constant 2 : i32
          %dma_wait3A_185 = tpu.memref_slice %arg9[%dma_wait3A_184] : memref<4x!tpu.dma_semaphore, #tpu.memory_space<semaphore_mem>> -> memref<1x!tpu.dma_semaphore, #tpu.memory_space<semaphore_mem>>
          %dma_wait3A_186 = tpu.memref_squeeze %dma_wait3A_185 : memref<1x!tpu.dma_semaphore, #tpu.memory_space<semaphore_mem>> -> memref<!tpu.dma_semaphore, #tpu.memory_space<semaphore_mem>>
          %dma_wait3A_187 = tpu.memref_slice %arg3[%sub3A_183] : memref<38535168xf32, #tpu.memory_space<hbm>> -> memref<393216xf32, #tpu.memory_space<hbm>>
          tpu.wait_dma2 semaphore(%dma_wait3A_186 : memref<!tpu.dma_semaphore, #tpu.memory_space<semaphore_mem>>) src(%arg6 : memref<393216xf32, #tpu.memory_space<vmem_shared>>) dst(%dma_wait3A_187 : memref<393216xf32, #tpu.memory_space<hbm>>)
        } else {
        }
        %dma_start3A_144 = arith.constant 2 : i32
        %dma_start3A_145 = tpu.memref_slice %arg9[%dma_start3A_144] : memref<4x!tpu.dma_semaphore, #tpu.memory_space<semaphore_mem>> -> memref<1x!tpu.dma_semaphore, #tpu.memory_space<semaphore_mem>>
        %dma_start3A_146 = tpu.memref_squeeze %dma_start3A_145 : memref<1x!tpu.dma_semaphore, #tpu.memory_space<semaphore_mem>> -> memref<!tpu.dma_semaphore, #tpu.memory_space<semaphore_mem>>
        %dma_start3A_147 = tpu.memref_slice %arg3[%add3A_134] : memref<38535168xf32, #tpu.memory_space<hbm>> -> memref<393216xf32, #tpu.memory_space<hbm>>
        tpu.enqueue_dma source(%arg6 : memref<393216xf32, #tpu.memory_space<vmem_shared>>) target(%dma_start3A_147 : memref<393216xf32, #tpu.memory_space<hbm>>) target_semaphore(%dma_start3A_146 : memref<!tpu.dma_semaphore, #tpu.memory_space<semaphore_mem>>)
        %add3A_148 = arith.constant 1 : i32
        %add3A_149 = arith.addi %add3A_75, %add3A_148 : i32
        %lt3A_150 = arith.constant 12 : i32
        %lt3A_151 = arith.cmpi slt, %add3A_149, %lt3A_150 : i32
        %convert_element_type3A_152 = arith.extui %lt3A_151 : i1 to i32
        %cond3A_153 = arith.constant 0 : i32
        %cond3A_154 = arith.cmpi ne, %convert_element_type3A_152, %cond3A_153 : i32
        scf.if %cond3A_154 {
          %add3A_182 = arith.constant 1572864 : i32
          %add3A_183 = arith.addi %add3A_134, %add3A_182 : i32
          %dma_start3A_184 = arith.constant 2 : i32
          %dma_start3A_185 = tpu.memref_slice %arg8[%dma_start3A_184] : memref<4x!tpu.dma_semaphore, #tpu.memory_space<semaphore_mem>> -> memref<1x!tpu.dma_semaphore, #tpu.memory_space<semaphore_mem>>
          %dma_start3A_186 = tpu.memref_squeeze %dma_start3A_185 : memref<1x!tpu.dma_semaphore, #tpu.memory_space<semaphore_mem>> -> memref<!tpu.dma_semaphore, #tpu.memory_space<semaphore_mem>>
          %dma_start3A_187 = tpu.memref_slice %arg2[%add3A_183] : memref<38535168xf32, #tpu.memory_space<hbm>> -> memref<393216xf32, #tpu.memory_space<hbm>>
          tpu.enqueue_dma source(%dma_start3A_187 : memref<393216xf32, #tpu.memory_space<hbm>>) target(%arg6 : memref<393216xf32, #tpu.memory_space<vmem_shared>>) target_semaphore(%dma_start3A_186 : memref<!tpu.dma_semaphore, #tpu.memory_space<semaphore_mem>>)
        } else {
        }
        %mul3A_155 = arith.constant 4 : i32
        %mul3A_156 = arith.muli %add3A_75, %mul3A_155 : i32
        %add3A_157 = arith.constant 3 : i32
        %add3A_158 = arith.addi %mul3A_156, %add3A_157 : i32
        %mul3A_159 = arith.constant 393216 : i32
        %mul3A_160 = arith.muli %add3A_158, %mul3A_159 : i32
        %add3A_161 = arith.addi %mul3A_2, %mul3A_160 : i32
        %dma_wait3A_162 = arith.constant 3 : i32
        %dma_wait3A_163 = tpu.memref_slice %arg8[%dma_wait3A_162] : memref<4x!tpu.dma_semaphore, #tpu.memory_space<semaphore_mem>> -> memref<1x!tpu.dma_semaphore, #tpu.memory_space<semaphore_mem>>
        %dma_wait3A_164 = tpu.memref_squeeze %dma_wait3A_163 : memref<1x!tpu.dma_semaphore, #tpu.memory_space<semaphore_mem>> -> memref<!tpu.dma_semaphore, #tpu.memory_space<semaphore_mem>>
        %dma_wait3A_165 = tpu.memref_slice %arg2[%add3A_161] : memref<38535168xf32, #tpu.memory_space<hbm>> -> memref<393216xf32, #tpu.memory_space<hbm>>
        tpu.wait_dma2 semaphore(%dma_wait3A_164 : memref<!tpu.dma_semaphore, #tpu.memory_space<semaphore_mem>>) src(%dma_wait3A_165 : memref<393216xf32, #tpu.memory_space<hbm>>) dst(%arg7 : memref<393216xf32, #tpu.memory_space<vmem_shared>>)
        %gt3A_166 = arith.constant 0 : i32
        %gt3A_167 = arith.cmpi sgt, %add3A_75, %gt3A_166 : i32
        %convert_element_type3A_168 = arith.extui %gt3A_167 : i1 to i32
        %cond3A_169 = arith.constant 0 : i32
        %cond3A_170 = arith.cmpi ne, %convert_element_type3A_168, %cond3A_169 : i32
        scf.if %cond3A_170 {
          %sub3A_182 = arith.constant 1572864 : i32
          %sub3A_183 = arith.subi %add3A_161, %sub3A_182 : i32
          %dma_wait3A_184 = arith.constant 3 : i32
          %dma_wait3A_185 = tpu.memref_slice %arg9[%dma_wait3A_184] : memref<4x!tpu.dma_semaphore, #tpu.memory_space<semaphore_mem>> -> memref<1x!tpu.dma_semaphore, #tpu.memory_space<semaphore_mem>>
          %dma_wait3A_186 = tpu.memref_squeeze %dma_wait3A_185 : memref<1x!tpu.dma_semaphore, #tpu.memory_space<semaphore_mem>> -> memref<!tpu.dma_semaphore, #tpu.memory_space<semaphore_mem>>
          %dma_wait3A_187 = tpu.memref_slice %arg3[%sub3A_183] : memref<38535168xf32, #tpu.memory_space<hbm>> -> memref<393216xf32, #tpu.memory_space<hbm>>
          tpu.wait_dma2 semaphore(%dma_wait3A_186 : memref<!tpu.dma_semaphore, #tpu.memory_space<semaphore_mem>>) src(%arg7 : memref<393216xf32, #tpu.memory_space<vmem_shared>>) dst(%dma_wait3A_187 : memref<393216xf32, #tpu.memory_space<hbm>>)
        } else {
        }
        %dma_start3A_171 = arith.constant 3 : i32
        %dma_start3A_172 = tpu.memref_slice %arg9[%dma_start3A_171] : memref<4x!tpu.dma_semaphore, #tpu.memory_space<semaphore_mem>> -> memref<1x!tpu.dma_semaphore, #tpu.memory_space<semaphore_mem>>
        %dma_start3A_173 = tpu.memref_squeeze %dma_start3A_172 : memref<1x!tpu.dma_semaphore, #tpu.memory_space<semaphore_mem>> -> memref<!tpu.dma_semaphore, #tpu.memory_space<semaphore_mem>>
        %dma_start3A_174 = tpu.memref_slice %arg3[%add3A_161] : memref<38535168xf32, #tpu.memory_space<hbm>> -> memref<393216xf32, #tpu.memory_space<hbm>>
        tpu.enqueue_dma source(%arg7 : memref<393216xf32, #tpu.memory_space<vmem_shared>>) target(%dma_start3A_174 : memref<393216xf32, #tpu.memory_space<hbm>>) target_semaphore(%dma_start3A_173 : memref<!tpu.dma_semaphore, #tpu.memory_space<semaphore_mem>>)
        %add3A_175 = arith.constant 1 : i32
        %add3A_176 = arith.addi %add3A_75, %add3A_175 : i32
        %lt3A_177 = arith.constant 12 : i32
        %lt3A_178 = arith.cmpi slt, %add3A_176, %lt3A_177 : i32
        %convert_element_type3A_179 = arith.extui %lt3A_178 : i1 to i32
        %cond3A_180 = arith.constant 0 : i32
        %cond3A_181 = arith.cmpi ne, %convert_element_type3A_179, %cond3A_180 : i32
        scf.if %cond3A_181 {
          %add3A_182 = arith.constant 1572864 : i32
          %add3A_183 = arith.addi %add3A_161, %add3A_182 : i32
          %dma_start3A_184 = arith.constant 3 : i32
          %dma_start3A_185 = tpu.memref_slice %arg8[%dma_start3A_184] : memref<4x!tpu.dma_semaphore, #tpu.memory_space<semaphore_mem>> -> memref<1x!tpu.dma_semaphore, #tpu.memory_space<semaphore_mem>>
          %dma_start3A_186 = tpu.memref_squeeze %dma_start3A_185 : memref<1x!tpu.dma_semaphore, #tpu.memory_space<semaphore_mem>> -> memref<!tpu.dma_semaphore, #tpu.memory_space<semaphore_mem>>
          %dma_start3A_187 = tpu.memref_slice %arg2[%add3A_183] : memref<38535168xf32, #tpu.memory_space<hbm>> -> memref<393216xf32, #tpu.memory_space<hbm>>
          tpu.enqueue_dma source(%dma_start3A_187 : memref<393216xf32, #tpu.memory_space<hbm>>) target(%arg7 : memref<393216xf32, #tpu.memory_space<vmem_shared>>) target_semaphore(%dma_start3A_186 : memref<!tpu.dma_semaphore, #tpu.memory_space<semaphore_mem>>)
        } else {
        }
      }
      %scan3A_28 = arith.constant 12 : i32
      %add3A_29 = arith.constant 18874368 : i32
      %add3A_30 = arith.addi %mul3A_2, %add3A_29 : i32
      %sub3A = arith.constant 1572864 : i32
      %sub3A_31 = arith.subi %add3A_30, %sub3A : i32
      %dma_wait3A = arith.constant 0 : i32
      %dma_wait3A_32 = tpu.memref_slice %arg9[%dma_wait3A] : memref<4x!tpu.dma_semaphore, #tpu.memory_space<semaphore_mem>> -> memref<1x!tpu.dma_semaphore, #tpu.memory_space<semaphore_mem>>
      %dma_wait3A_33 = tpu.memref_squeeze %dma_wait3A_32 : memref<1x!tpu.dma_semaphore, #tpu.memory_space<semaphore_mem>> -> memref<!tpu.dma_semaphore, #tpu.memory_space<semaphore_mem>>
      %dma_wait3A_34 = tpu.memref_slice %arg3[%sub3A_31] : memref<38535168xf32, #tpu.memory_space<hbm>> -> memref<393216xf32, #tpu.memory_space<hbm>>
      tpu.wait_dma2 semaphore(%dma_wait3A_33 : memref<!tpu.dma_semaphore, #tpu.memory_space<semaphore_mem>>) src(%arg4 : memref<393216xf32, #tpu.memory_space<vmem_shared>>) dst(%dma_wait3A_34 : memref<393216xf32, #tpu.memory_space<hbm>>)
      %dma_start3A_35 = arith.constant 0 : i32
      %dma_start3A_36 = tpu.memref_slice %arg8[%dma_start3A_35] : memref<4x!tpu.dma_semaphore, #tpu.memory_space<semaphore_mem>> -> memref<1x!tpu.dma_semaphore, #tpu.memory_space<semaphore_mem>>
      %dma_start3A_37 = tpu.memref_squeeze %dma_start3A_36 : memref<1x!tpu.dma_semaphore, #tpu.memory_space<semaphore_mem>> -> memref<!tpu.dma_semaphore, #tpu.memory_space<semaphore_mem>>
      %dma_start3A_38 = tpu.memref_slice %arg2[%add3A_30] : memref<38535168xf32, #tpu.memory_space<hbm>> -> memref<393216xf32, #tpu.memory_space<hbm>>
      tpu.enqueue_dma source(%dma_start3A_38 : memref<393216xf32, #tpu.memory_space<hbm>>) target(%arg4 : memref<393216xf32, #tpu.memory_space<vmem_shared>>) target_semaphore(%dma_start3A_37 : memref<!tpu.dma_semaphore, #tpu.memory_space<semaphore_mem>>)
      %dma_wait3A_39 = arith.constant 0 : i32
      %dma_wait3A_40 = tpu.memref_slice %arg8[%dma_wait3A_39] : memref<4x!tpu.dma_semaphore, #tpu.memory_space<semaphore_mem>> -> memref<1x!tpu.dma_semaphore, #tpu.memory_space<semaphore_mem>>
      %dma_wait3A_41 = tpu.memref_squeeze %dma_wait3A_40 : memref<1x!tpu.dma_semaphore, #tpu.memory_space<semaphore_mem>> -> memref<!tpu.dma_semaphore, #tpu.memory_space<semaphore_mem>>
      %dma_wait3A_42 = tpu.memref_slice %arg2[%add3A_30] : memref<38535168xf32, #tpu.memory_space<hbm>> -> memref<393216xf32, #tpu.memory_space<hbm>>
      tpu.wait_dma2 semaphore(%dma_wait3A_41 : memref<!tpu.dma_semaphore, #tpu.memory_space<semaphore_mem>>) src(%dma_wait3A_42 : memref<393216xf32, #tpu.memory_space<hbm>>) dst(%arg4 : memref<393216xf32, #tpu.memory_space<vmem_shared>>)
      %dma_start3A_43 = arith.constant 0 : i32
      %dma_start3A_44 = tpu.memref_slice %arg9[%dma_start3A_43] : memref<4x!tpu.dma_semaphore, #tpu.memory_space<semaphore_mem>> -> memref<1x!tpu.dma_semaphore, #tpu.memory_space<semaphore_mem>>
      %dma_start3A_45 = tpu.memref_squeeze %dma_start3A_44 : memref<1x!tpu.dma_semaphore, #tpu.memory_space<semaphore_mem>> -> memref<!tpu.dma_semaphore, #tpu.memory_space<semaphore_mem>>
      %dma_start3A_46 = tpu.memref_slice %arg3[%add3A_30] : memref<38535168xf32, #tpu.memory_space<hbm>> -> memref<393216xf32, #tpu.memory_space<hbm>>
      tpu.enqueue_dma source(%arg4 : memref<393216xf32, #tpu.memory_space<vmem_shared>>) target(%dma_start3A_46 : memref<393216xf32, #tpu.memory_space<hbm>>) target_semaphore(%dma_start3A_45 : memref<!tpu.dma_semaphore, #tpu.memory_space<semaphore_mem>>)
      %add3A_47 = arith.constant 17694720 : i32
      %add3A_48 = arith.addi %mul3A_2, %add3A_47 : i32
      %dma_wait3A_49 = arith.constant 1 : i32
      %dma_wait3A_50 = tpu.memref_slice %arg9[%dma_wait3A_49] : memref<4x!tpu.dma_semaphore, #tpu.memory_space<semaphore_mem>> -> memref<1x!tpu.dma_semaphore, #tpu.memory_space<semaphore_mem>>
      %dma_wait3A_51 = tpu.memref_squeeze %dma_wait3A_50 : memref<1x!tpu.dma_semaphore, #tpu.memory_space<semaphore_mem>> -> memref<!tpu.dma_semaphore, #tpu.memory_space<semaphore_mem>>
      %dma_wait3A_52 = tpu.memref_slice %arg3[%add3A_48] : memref<38535168xf32, #tpu.memory_space<hbm>> -> memref<393216xf32, #tpu.memory_space<hbm>>
      tpu.wait_dma2 semaphore(%dma_wait3A_51 : memref<!tpu.dma_semaphore, #tpu.memory_space<semaphore_mem>>) src(%arg5 : memref<393216xf32, #tpu.memory_space<vmem_shared>>) dst(%dma_wait3A_52 : memref<393216xf32, #tpu.memory_space<hbm>>)
      %add3A_53 = arith.constant 18087936 : i32
      %add3A_54 = arith.addi %mul3A_2, %add3A_53 : i32
      %dma_wait3A_55 = arith.constant 2 : i32
      %dma_wait3A_56 = tpu.memref_slice %arg9[%dma_wait3A_55] : memref<4x!tpu.dma_semaphore, #tpu.memory_space<semaphore_mem>> -> memref<1x!tpu.dma_semaphore, #tpu.memory_space<semaphore_mem>>
      %dma_wait3A_57 = tpu.memref_squeeze %dma_wait3A_56 : memref<1x!tpu.dma_semaphore, #tpu.memory_space<semaphore_mem>> -> memref<!tpu.dma_semaphore, #tpu.memory_space<semaphore_mem>>
      %dma_wait3A_58 = tpu.memref_slice %arg3[%add3A_54] : memref<38535168xf32, #tpu.memory_space<hbm>> -> memref<393216xf32, #tpu.memory_space<hbm>>
      tpu.wait_dma2 semaphore(%dma_wait3A_57 : memref<!tpu.dma_semaphore, #tpu.memory_space<semaphore_mem>>) src(%arg6 : memref<393216xf32, #tpu.memory_space<vmem_shared>>) dst(%dma_wait3A_58 : memref<393216xf32, #tpu.memory_space<hbm>>)
      %add3A_59 = arith.constant 18481152 : i32
      %add3A_60 = arith.addi %mul3A_2, %add3A_59 : i32
      %dma_wait3A_61 = arith.constant 3 : i32
      %dma_wait3A_62 = tpu.memref_slice %arg9[%dma_wait3A_61] : memref<4x!tpu.dma_semaphore, #tpu.memory_space<semaphore_mem>> -> memref<1x!tpu.dma_semaphore, #tpu.memory_space<semaphore_mem>>
      %dma_wait3A_63 = tpu.memref_squeeze %dma_wait3A_62 : memref<1x!tpu.dma_semaphore, #tpu.memory_space<semaphore_mem>> -> memref<!tpu.dma_semaphore, #tpu.memory_space<semaphore_mem>>
      %dma_wait3A_64 = tpu.memref_slice %arg3[%add3A_60] : memref<38535168xf32, #tpu.memory_space<hbm>> -> memref<393216xf32, #tpu.memory_space<hbm>>
      tpu.wait_dma2 semaphore(%dma_wait3A_63 : memref<!tpu.dma_semaphore, #tpu.memory_space<semaphore_mem>>) src(%arg7 : memref<393216xf32, #tpu.memory_space<vmem_shared>>) dst(%dma_wait3A_64 : memref<393216xf32, #tpu.memory_space<hbm>>)
      %add3A_65 = arith.constant 18874368 : i32
      %add3A_66 = arith.addi %mul3A_2, %add3A_65 : i32
      %dma_wait3A_67 = arith.constant 0 : i32
      %dma_wait3A_68 = tpu.memref_slice %arg9[%dma_wait3A_67] : memref<4x!tpu.dma_semaphore, #tpu.memory_space<semaphore_mem>> -> memref<1x!tpu.dma_semaphore, #tpu.memory_space<semaphore_mem>>
      %dma_wait3A_69 = tpu.memref_squeeze %dma_wait3A_68 : memref<1x!tpu.dma_semaphore, #tpu.memory_space<semaphore_mem>> -> memref<!tpu.dma_semaphore, #tpu.memory_space<semaphore_mem>>
      %dma_wait3A_70 = tpu.memref_slice %arg3[%add3A_66] : memref<38535168xf32, #tpu.memory_space<hbm>> -> memref<393216xf32, #tpu.memory_space<hbm>>
      tpu.wait_dma2 semaphore(%dma_wait3A_69 : memref<!tpu.dma_semaphore, #tpu.memory_space<semaphore_mem>>) src(%arg4 : memref<393216xf32, #tpu.memory_space<vmem_shared>>) dst(%dma_wait3A_70 : memref<393216xf32, #tpu.memory_space<hbm>>)
    } else {
    }
    return
  }
}

</mosaic_0001>

<sc_bundles>
// kernel: kernel.3.cloned.1.call-start
scs
__scs_entry_jumppad:
0x0: {  	(pc) =	sbr.rel $0x88, $3  }
0x1: {  	(tag) =	ssettag $0x0;
	lr =	simm.s32 $0x1  }
0x2: {  	[smem:$0x3FA0] =	sst lr;
	_ =	strace $0xD0000000  }
0x3: {  	_ = 	snop  }
0x4: {  	_ = 	snop  }
0x5: {  	_ = 	snop  }
0x6: {  	_ = 	snop  }
0x7: {  	_ = 	snop  }
__scs_overlays_trampoline_lowered:
0x8: {  	[smem:$0x3FAF] =	sst s0  }
0x9: {  	[smem:$0x3FB0] =	sst s1  }
0xa: {  	[smem:$0x3FB1] =	sst s2  }
0xb: {  	[smem:$0x3FB2] =	sst s3  }
0xc: {  	[smem:$0x3FB3] =	sst s4  }
0xd: {  	[smem:$0x3FB4] =	sst s5  }
0xe: {  	[smem:$0x3FB5] =	sst s6  }
0xf: {  	[smem:$0x3FB6] =	sst s7  }
0x10: {  	[smem:$0x3FB7] =	sst s8  }
0x11: {  	[smem:$0x3FB8] =	sst s9;
	s0 =	simm.s32 @!p0 $0x0  }
0x12: {  	s1 =	sld [smem:$0x3F9E];
	s0 =	simm.s32 @p0 $0x1  }
0x13: {  	[smem:$0x3FB9] =	sst s0;
	s0 =	simm.s32 @!p1 $0x0  }
0x14: {  	s2 =	sld [smem:$0x3F9D];
	s0 =	simm.s32 @p1 $0x1  }
0x15: {  	[smem:$0x3FBA] =	sst s0;
	s0 =	simm.s32 @!p2 $0x0  }
0x16: {  	s3 =	sld [smem:$0x3FDB];
	s0 =	simm.s32 @p2 $0x1  }
0x17: {  	s4 =	simm.s32 $0x1BF5;
	[smem:$0x3FBC] =	sst s0  }
0x18: {  	s0 =	sld [smem:$0x3F9F];
	_ =	swait.ge [sflag:s4], $0x0  }
0x19: {  	s7 =	sld [smem:$0x3FA0]  }
0x1a: {  	s8 =	sadd.s32 $0xFFFFE003, lr  }
0x1b: {  	s9 =	sadd.s32 $0xFFFFFEF7, lr;
	s5 =	simm.s32 $0xFFFFFFFF;
	p2 =	slt.u32 s8, $0xFFFFF086  }
0x1c: {  	p1 =	slt.u32 s9, $0xF7A;
	s5 =	simm.s32 @!p2 $0x0  }
0x1d: {  	s5 =	simm.s32 @p1 $0x1;
	p0 =	seq.s32 s7, s2  }
0x1e: {  	s7 =	smul.u32 @!p0 $0xF7A, s2;
	p2 =	seq.s32 @!p0 s5, $0x0  }
0x1f: {  	s9 =	smul.u32 $0xF7A, s1;
	s8 =	simm.s32 @!p0 $0x1BF5;
	p2 =	por !p2, p0  }
0x20: {  	[sflag:s8] =	ssyncset.s32 @!p0 $0xFFFFF086;
	s6 =	sadd.s32 @!p0 s3, s7;
	s7 =	simm.s32 @!p0 $0x108  }
0x21: {  	s3 =	sadd.s32 s3, s9;
	s6 =	sadd.s32 @!p0 $0x88, s6;
	s7 =	simm.s32 @p2 $0x1082  }
0x22: {  	[simem:s7], [sflag:s8] =	dma.local @!p0 [hbm:s6], $0xF7A  }
0x23: {  	s9 =	sor.u32 $0xD0000000, s2;
	s6 =	simm.s32 $0x108;
	_ =	swait.ge @!p0 [sflag:s8], $0x0  }
0x24: {  	s3 =	sadd.s32 $0x88, s3;
	s6 =	simm.s32 @!p1 $0x1082;
	[sflag:s4] =	ssyncset.s32 $0xFFFFF086  }
0x25: {  	[simem:s6], [sflag:s4] =	dma.local [hbm:s3], $0xF7A  }
0x26: {  	[smem:$0x3FA0] =	sst s1;
	(tag) =	ssettag s2;
	_ =	strace s9  }
0x27: {  	s1 =	sld [smem:$0x3FB0]  }
0x28: {  	s2 =	sld [smem:$0x3FB1]  }
0x29: {  	s4 =	sld [smem:$0x3FB3]  }
0x2a: {  	p0 =	seq.s32 s5, $0x0;
	s5 =	sld [smem:$0x3FB4]  }
0x2b: {  	s6 =	sld [smem:$0x3FB5]  }
0x2c: {  	s7 =	sld [smem:$0x3FB6]  }
0x2d: {  	s3 =	simm.s32 $0x108;
	s8 =	sld [smem:$0x3FB7]  }
0x2e: {  	s3 =	simm.s32 @!p0 $0x1082;
	s9 =	sld [smem:$0x3FB8]  }
0x2f: {  	lr =	sadd.s32 s0, s3;
	s0 =	sld [smem:$0x3FAF]  }
0x30: {  	s3 =	sld [smem:$0x3FB2]  }
0x31: {  	[smem:$0x3FBB] =	sst s10  }
0x32: {  	s10 =	sld [smem:$0x3FB9];
	_ =	sdelay $0x3  }
0x33: {  	p0 =	seq.s32 s10, $0x1;
	s10 =	sld [smem:$0x3FBB];
	_ =	sdelay $0x3  }
0x34: {  	[smem:$0x3FBB] =	sst s10  }
0x35: {  	s10 =	sld [smem:$0x3FBA];
	_ =	sdelay $0x3  }
0x36: {  	p1 =	seq.s32 s10, $0x1;
	s10 =	sld [smem:$0x3FBB];
	_ =	sdelay $0x3  }
0x37: {  	[smem:$0x3FBB] =	sst s10  }
0x38: {  	s10 =	sld [smem:$0x3FBC]  }
0x39: {  	_ = 	snop;
	(pc) =	sbr.ind lr, $3  }
0x3a: {  	_ = 	snop  }
0x3b: {  	_ = 	snop  }
0x3c: {  	p2 =	seq.s32 s10, $0x1;
	s10 =	sld [smem:$0x3FBB]  }
0x3d: {  	_ =	shalt  }
0x3e: {  	_ =	shalt  }
0x3f: {  	_ =	shalt  }
0x40: {  	_ =	shalt  }
0x41: {  	_ =	shalt  }
0x42: {  	_ =	shalt  }
0x43: {  	_ =	shalt  }
0x44: {  	_ =	shalt  }
0x45: {  	_ =	shalt  }
0x46: {  	_ =	shalt  }
0x47: {  	_ =	shalt  }
0x48: {  	_ =	shalt  }
0x49: {  	_ =	shalt  }
0x4a: {  	_ =	shalt  }
0x4b: {  	_ =	shalt  }
0x4c: {  	_ =	shalt  }
0x4d: {  	_ =	shalt  }
0x4e: {  	_ =	shalt  }
0x4f: {  	_ =	shalt  }
0x50: {  	_ =	shalt  }
0x51: {  	_ =	shalt  }
0x52: {  	_ =	shalt  }
0x53: {  	_ =	shalt  }
0x54: {  	_ =	shalt  }
0x55: {  	_ =	shalt  }
0x56: {  	_ =	shalt  }
0x57: {  	_ =	shalt  }
0x58: {  	_ =	shalt  }
0x59: {  	_ =	shalt  }
0x5a: {  	_ =	shalt  }
0x5b: {  	_ =	shalt  }
0x5c: {  	_ =	shalt  }
0x5d: {  	_ =	shalt  }
0x5e: {  	_ =	shalt  }
0x5f: {  	_ =	shalt  }
0x60: {  	_ =	shalt  }
0x61: {  	_ =	shalt  }
0x62: {  	_ =	shalt  }
0x63: {  	_ =	shalt  }
0x64: {  	_ =	shalt  }
0x65: {  	_ =	shalt  }
0x66: {  	_ =	shalt  }
0x67: {  	_ =	shalt  }
0x68: {  	_ =	shalt  }
0x69: {  	_ =	shalt  }
0x6a: {  	_ =	shalt  }
0x6b: {  	_ =	shalt  }
0x6c: {  	_ =	shalt  }
0x6d: {  	_ =	shalt  }
0x6e: {  	_ =	shalt  }
0x6f: {  	_ =	shalt  }
0x70: {  	_ =	shalt  }
0x71: {  	_ =	shalt  }
0x72: {  	_ =	shalt  }
0x73: {  	_ =	shalt  }
0x74: {  	_ =	shalt  }
0x75: {  	_ =	shalt  }
0x76: {  	_ =	shalt  }
0x77: {  	_ =	shalt  }
0x78: {  	_ =	shalt  }
0x79: {  	_ =	shalt  }
0x7a: {  	_ =	shalt  }
0x7b: {  	_ =	shalt  }
0x7c: {  	_ =	shalt  }
0x7d: {  	_ =	shalt  }
0x7e: {  	_ =	shalt  }
0x7f: {  	_ =	shalt  }
0x80: {  	_ =	shalt  }
0x81: {  	_ =	shalt  }
0x82: {  	_ =	shalt  }
0x83: {  	_ =	shalt  }
0x84: {  	_ =	shalt  }
0x85: {  	_ =	shalt  }
0x86: {  	_ =	shalt  }
0x87: {  	_ =	shalt  }
.Lfunc_end0:
.L_simem_size_0:
called_computation_lowered:
.L_overlay_start_0:
0x88: {  	s2 =	sld [smem:$0x3FD9]  }
0x89: {  	s3 =	sld [smem:$0x3FFE];
	_ =	sdelay $0x1  }
0x8a: {  	s1 =	srdreg.scid  }
0x8b: {  	s0 =	sand.u32 $0x1, s1  }
0x8c: {  	s17 =	sshll.u32 s0, $0xA;
	s2 =	sadd.s32 s3, s2  }
0x8d: {  	s2 =	sadd.s32 s2, s17  }
0x8e: {  	[smem:$0x3FC7] =	sst s2  }
0x8f: {  	_ = 	snop  }
0x90: {  	s2 =	sld [smem:$0x3FD0];
	(tm) =	ssettm $0x1  }
0x91: {  	s18 =	sld [smem:$0x3FFB];
	_ =	sdelay $0x3  }
0x92: {  	_ =	strace s18  }
0x93: {  	s3 =	sld [smem:$0x3FFC];
	_ =	sdelay $0x3  }
0x94: {  	_ =	strace s3  }
0x95: {  	s3 =	sld [smem:$0x3FFD];
	_ =	sdelay $0x3  }
0x96: {  	_ =	strace s3  }
0x97: {  	_ =	strace $0x8FFFFFFF  }
0x98: {  	s19 =	sld [smem:$0x3FDB];
	_ =	sdelay $0x1  }
0x99: {  	s4 =	simm.s32 $_scs_section_size  }
0x9a: {  	s5 =	simm.s32 $_size__tile_overlayer_lowered;
	s6 =	simm.s32 $_tile_overlayer_lowered  }
0x9b: {  	s22 =	simm.s32 $0x1BFF;
	s21 =	sshll.u32 s6, $0x1;
	s3 =	sadd.s32 s4, s19  }
0x9c: {  	s7 =	simm.s32 $0x0;
	s20 =	sshll.u32 s5, $0x1;
	s5 =	sadd.s32 s21, s3  }
0x9d: {  	[timem:s7], [sflag:s22] =	dma.local [hbm:s5], s20  }
0x9e: {  	_ =	swait.ge [sflag:s22], s20  }
0x9f: {  	s4 =	ssub.s32 $0x0, s20;
	[sflag:s22] =	ssyncset.done $0x0  }
0xa0: {  	[sflag:s22] =	ssyncadd.s32 s4;
	_ =	sdelay $0x1  }
0xa1: {  	s23 =	simm.s32 $0x1B8B  }
0xa2: {  	_ =	swait.ge [sflag:s23], $0x1  }
0xa3: {  	[sflag:s23] =	ssyncset.done $0x0  }
0xa4: {  	s25 =	simm.s32 $0x1B8E;
	s24 =	sld [smem:$0x3FFE];
	[sflag:s23] =	ssyncadd.s32 $0xFFFFFFFF  }
0xa5: {  	s26 =	simm.s32 $execute0_lowered;
	[smem:$0x3FD2] =	sst s25  }
0xa6: {  	s5 =	sshll.u32 s26, $0x1;
	_ =	strace $0x80000046;
	[dreg:$0x1] =	wrdreg $0xFFFFFFFF  }
0xa7: {  	s28 =	simm.s32 $_size_execute0_lowered;
	s3 =	sadd.s32 s3, s5;
	[dreg:$0x0] =	wrdreg $0x0  }
0xa8: {  	s5 =	sshll.u32 s28, $0x1;
	[dreg:$0x2] =	wrdreg s3  }
0xa9: {  	[dreg:$0x3] =	wrdreg s5  }
0xaa: {  	[dreg:$0x4] =	wrdreg $0xC0  }
0xab: {  	_ =	task [dreg:s7], $0x5FFFF  }
0xac: {  	[dreg:$0x1] =	wrdreg $0xFFFFFFFF  }
0xad: {  	[dreg:$0x0] =	wrdreg $0x60  }
0xae: {  	[dreg:$0x2] =	wrdreg s2  }
0xaf: {  	[dreg:$0x3] =	wrdreg s24  }
0xb0: {  	[dreg:$0x4] =	wrdreg $0x0  }
0xb1: {  	[dreg:$0x5] =	wrdreg $0x60000  }
0xb2: {  	[dreg:$0x6] =	wrdreg $0xC0000  }
0xb3: {  	[dreg:$0x7] =	wrdreg $0x120000  }
0xb4: {  	[dreg:$0x8] =	wrdreg $0x9  }
0xb5: {  	_ =	task.clear_ibuf [dreg:s7], $0x9FFFF;
	_ =	strace $0x90000046  }
0xb6: {  	s29 =	simm.s32 $0x9;
	_ =	strace $0x80000048  }
0xb7: {  	_ =	swait.ge [sflag:s29], $0x1  }
0xb8: {  	[sflag:s29] =	ssyncadd.s32 $0xFFFFFFFF  }
0xb9: {  	_ =	strace $0x90000048  }
0xba: {  	_ =	sfence  }
0xbb: {  	s30 =	sld [smem:$0x0];
	_ =	sdelay $0x2  }
0xbc: {  	s31 =	sshll.u32 s1, $0xD;
	s1 =	sshrl.u32 s1, $0x2  }
0xbd: {  	s3 =	sand.u32 $0x4000, s31;
	s1 =	sadd.s32 s1, s30  }
0xbe: {  	s0 =	sor.u32 s3, s0;
	s1 =	sshll.u32 s1, $0x11  }
0xbf: {  	s0 =	sor.u32 s1, s0  }
0xc0: {  	s0 =	sadd.s32 $0x8F2B, s0  }
0xc1: {  	[sflag:s0] =	ssyncadd.remote.s32 $0x1  }
0xc2: {  	_ =	sfence.sel $0xFFFF  }
0xc3: {  	[dreg:$0x0] =	wrdreg $0xFFFFFFFF;
	(pc) =	sbr.abs _section_cstart, $3  }
0xc4: {  	[dreg:$0x1] =	wrdreg $0xFFFFFFFF  }
0xc5: {  	_ =	task.clear_ibuf [dreg:s7], $0x2FFFF;
	_ =	strace $0x9FFFFFFF  }
0xc6: {  	(tm) =	ssettm $0x7FFFFFFF  }
0xc7: {  	_ =	shalt  }
tec
execute0_lowered:
.L_overlay_start_1:
0x0: {  	(tag) =	ssettag $0x1  }
0x1: {  	s0 =	rddreg [dreg:$0x0];
	s6 =	stileid.u32  }
0x2: {  	s7 =	rddreg [dreg:$0x1];
	p0 =	sne.s32 s6, $0x0  }
.Ltmp0:
0x3: {  	s1 =	rddreg [dreg:$0x2];
	(pc) =	sbr.rel @p0 .LBB2_5-.Ltmp0, $4  }
0x4: {  	s2 =	rddreg [dreg:$0x3]  }
0x5: {  	s3 =	rddreg [dreg:$0x4];
	s5 =	simm.s32 $0x0  }
0x6: {  	[smem:$0x7FF] =	sst s5  }
0x7: {  	s4 =	rddreg [dreg:$0x5];
	_ =	strace $0x80000047  }
0x8: {  	s6 =	srdreg.scid;
	s7 =	sadd.s32 $0x400, s7  }
0x9: {  	s16 =	sshrl.u32 s1, $0x3;
	s17 =	simm.s32 $0x1C02;
	s18 =	sshrl.u32 s2, $0x3  }
0xa: {  	s19 =	simm.s32 $0x1C03;
	s20 =	sshrl.u32 s3, $0x3;
	s8 =	sand.u32 $0x1, s6  }
0xb: {  	s28 =	simm.s32 $0x1C07;
	s29 =	simm.s32 $0x4;
	s6 =	smul.u32 $0x1260000, s8  }
0xc: {  	s30 =	simm.s32 $0x1C08;
	s31 =	simm.s32 $0x5;
	s22 =	ssub.s32 $0x2, s8  }
0xd: {  	s8 =	smul.u32 $0x24C000, s8;
	s12 =	sshrl.u32 s22, $0x1;
	s9 =	sshrl.u32 s6, $0x3  }
0xe: {  	s25 =	ssub.s32 s22, s12;
	s12 =	simm.s32 $0x1C01;
	s6 =	sadd.s32 s0, s9  }
0xf: {  	s14 =	sadd.s32 s8, s7;
	s26 =	smax.u32 s25, $0x1;
	[dreg:$0x7] =	wrdreg s6  }
0x10: {  	s15 =	sadd.s32 s8, s0;
	s10 =	sadd.s32 $0xC000, s6;
	[dreg:$0xd] =	wrdreg s26  }
0x11: {  	s22 =	simm.s32 $0x1;
	s21 =	sadd.s32 $0x18000, s6;
	[dreg:$0x8] =	wrdreg s10  }
0x12: {  	s9 =	sadd.s32 $0x240000, s9;
	s6 =	sadd.s32 $0x24000, s6;
	[dreg:$0x9] =	wrdreg s21  }
0x13: {  	s8 =	simm.s32 $0x8;
	s23 =	sadd.s32 s0, s9;
	[dreg:$0xa] =	wrdreg s6  }
0x14: {  	s25 =	simm.s32 $0x1C06;
	s24 =	sadd.s32 s7, s9;
	[dreg:$0xb] =	wrdreg s23  }
0x15: {  	s26 =	simm.s32 $0x3;
	s7 =	simm.s32 $0x7;
	[dreg:$0xc] =	wrdreg s24  }
0x16: {  	s21 =	simm.s32 $0x1C04;
	s23 =	simm.s32 $0x1C05;
	s24 =	simm.s32 $0x2  }
.LBB2_2:
0x17: {  	s0 =	rddreg [dreg:$0x7]  }
0x18: {  	[spmem:s16], [sflag:s12] =	dma.local [hbm:s0], $0xC000  }
0x19: {  	s0 =	rddreg [dreg:$0x8]  }
0x1a: {  	[spmem:s18], [sflag:s17] =	dma.local [hbm:s0], $0xC000  }
0x1b: {  	s0 =	rddreg [dreg:$0x9]  }
0x1c: {  	[spmem:s20], [sflag:s19] =	dma.local [hbm:s0], $0xC000  }
0x1d: {  	s9 =	sshrl.u32 s4, $0x3;
	s10 =	simm.s32 $0x0;
	s0 =	rddreg [dreg:$0xa]  }
0x1e: {  	[spmem:s9], [sflag:s21] =	dma.local [hbm:s0], $0xC000  }
.LBB2_3:
0x1f: {  	_ =	swait.ge [sflag:s22], $0xC000  }
0x20: {  	p1 =	seq.s32 s10, $0x0;
	[sflag:s22] =	ssyncset.done $0x0  }
0x21: {  	s11 =	simm.s32 @!p1 $0x5;
	[sflag:s22] =	ssyncadd.s32 $0xFFFF4000  }
0x22: {  	p2 =	seq.s32 s10, $0x210000;
	_ =	swait.ge @!p1 [sflag:s11], $0xC000  }
0x23: {  	s6 =	sadd.s32 @!p2 s10, s15;
	s0 =	sshrl.u32 @!p2 s1, $0x3;
	[sflag:s11] =	ssyncset.done @!p1 $0x0  }
0x24: {  	s13 =	sadd.s32 @!p2 $0x30000, s6;
	[sflag:s11] =	ssyncadd.s32 @!p1 $0xFFFF4000;
	s11 =	sadd.s32 s10, s14  }
0x25: {  	[hbm:s11], [sflag:s23] =	dma.local [spmem:s16], $0xC000  }
0x26: {  	[spmem:s0], [sflag:s12] =	dma.local @!p2 [hbm:s13], $0xC000  }
0x27: {  	_ =	swait.ge [sflag:s24], $0xC000  }
0x28: {  	[sflag:s24] =	ssyncset.done $0x0  }
0x29: {  	s0 =	simm.s32 @!p1 $0x6;
	[sflag:s24] =	ssyncadd.s32 $0xFFFF4000  }
0x2a: {  	_ =	swait.ge @!p1 [sflag:s0], $0xC000  }
0x2b: {  	[sflag:s0] =	ssyncset.done @!p1 $0x0  }
0x2c: {  	s13 =	sadd.s32 $0xC000, s11;
	[sflag:s0] =	ssyncadd.s32 @!p1 $0xFFFF4000  }
0x2d: {  	[hbm:s13], [sflag:s25] =	dma.local [spmem:s18], $0xC000  }
0x2e: {  	s0 =	sadd.s32 @!p2 $0x3C000, s6;
	s13 =	sshrl.u32 @!p2 s2, $0x3  }
0x2f: {  	[spmem:s13], [sflag:s17] =	dma.local @!p2 [hbm:s0], $0xC000  }
0x30: {  	_ =	swait.ge [sflag:s26], $0xC000  }
0x31: {  	[sflag:s26] =	ssyncset.done $0x0  }
0x32: {  	s0 =	simm.s32 @!p1 $0x7;
	[sflag:s26] =	ssyncadd.s32 $0xFFFF4000  }
0x33: {  	_ =	swait.ge @!p1 [sflag:s0], $0xC000  }
0x34: {  	[sflag:s0] =	ssyncset.done @!p1 $0x0  }
0x35: {  	s13 =	sadd.s32 $0x18000, s11;
	[sflag:s0] =	ssyncadd.s32 @!p1 $0xFFFF4000  }
0x36: {  	[hbm:s13], [sflag:s28] =	dma.local [spmem:s20], $0xC000  }
0x37: {  	s0 =	sadd.s32 @!p2 $0x48000, s6;
	s13 =	sshrl.u32 @!p2 s3, $0x3  }
0x38: {  	[spmem:s13], [sflag:s19] =	dma.local @!p2 [hbm:s0], $0xC000  }
0x39: {  	_ =	swait.ge [sflag:s29], $0xC000  }
0x3a: {  	[sflag:s29] =	ssyncset.done $0x0  }
0x3b: {  	s0 =	simm.s32 @!p1 $0x8;
	[sflag:s29] =	ssyncadd.s32 $0xFFFF4000  }
0x3c: {  	_ =	swait.ge @!p1 [sflag:s0], $0xC000  }
0x3d: {  	s10 =	sadd.s32 @!p2 $0x30000, s10;
	[sflag:s0] =	ssyncset.done @!p1 $0x0  }
0x3e: {  	[sflag:s0] =	ssyncadd.s32 @!p1 $0xFFFF4000;
	p1 =	sne.s32 @!p2 s10, $0x240000  }
0x3f: {  	p1 =	por p2, !p1  }
.Ltmp1:
0x40: {  	_ = 	snop;
	(pc) =	sbr.rel @!p1 .LBB2_3-.Ltmp1, $4  }
0x41: {  	_ = 	snop  }
0x42: {  	s13 =	sadd.s32 $0x24000, s11;
	s0 =	sadd.s32 @!p2 $0x54000, s6;
	s6 =	sshrl.u32 @!p2 s4, $0x3  }
0x43: {  	[hbm:s13], [sflag:s30] =	dma.local [spmem:s9], $0xC000  }
0x44: {  	[spmem:s6], [sflag:s21] =	dma.local @!p2 [hbm:s0], $0xC000  }
0x45: {  	_ =	swait.ge [sflag:s31], $0xC000  }
0x46: {  	[sflag:s31] =	ssyncset.done $0x0  }
0x47: {  	s0 =	rddreg [dreg:$0xb];
	[sflag:s31] =	ssyncadd.s32 $0xFFFF4000  }
0x48: {  	[spmem:s16], [sflag:s12] =	dma.local [hbm:s0], $0xC000  }
0x49: {  	_ =	swait.ge [sflag:s22], $0xC000  }
0x4a: {  	[sflag:s22] =	ssyncset.done $0x0  }
0x4b: {  	s11 =	simm.s32 $0x6;
	s10 =	rddreg [dreg:$0xc];
	[sflag:s22] =	ssyncadd.s32 $0xFFFF4000  }
0x4c: {  	[hbm:s10], [sflag:s23] =	dma.local [spmem:s16], $0xC000  }
0x4d: {  	_ =	swait.ge [sflag:s11], $0xC000  }
0x4e: {  	[sflag:s11] =	ssyncset.done $0x0  }
0x4f: {  	[sflag:s11] =	ssyncadd.s32 $0xFFFF4000  }
0x50: {  	_ =	swait.ge [sflag:s7], $0xC000  }
0x51: {  	[sflag:s7] =	ssyncset.done $0x0  }
0x52: {  	[sflag:s7] =	ssyncadd.s32 $0xFFFF4000  }
0x53: {  	_ =	swait.ge [sflag:s8], $0xC000  }
0x54: {  	[sflag:s8] =	ssyncset.done $0x0  }
0x55: {  	[sflag:s8] =	ssyncadd.s32 $0xFFFF4000  }
0x56: {  	_ =	swait.ge [sflag:s31], $0xC000  }
0x57: {  	s5 =	sadd.s32 $0x1, s5;
	s13 =	rddreg [dreg:$0xd]  }
0x58: {  	p1 =	sne.s32 s5, s13  }
.Ltmp2:
0x59: {  	_ = 	snop;
	(pc) =	sbr.rel @p1 .LBB2_2-.Ltmp2, $3  }
0x5a: {  	_ =	sdelay $0x1  }
0x5b: {  	[sflag:s31] =	ssyncset.done $0x0  }
0x5c: {  	[sflag:s31] =	ssyncadd.s32 $0xFFFF4000  }
.LBB2_5:
0x5d: {  	_ =	sfence.sel $0x180000  }
0x5e: {  	[bflag:$0x0] =	sbarrier.arrive $0xFFFF  }
0x5f: {  	_ =	strace $0x90000047  }
0x60: {  	[bflag:$0x2] =	sbarrier.arrive $0xFFFF  }
0x61: {  	s0 =	rddreg [dreg:$0x6]  }
0x62: {  	s0 =	sadd.s32 @!p0 $0x100000, s0  }
0x63: {  	[sflag:s0] =	ssyncadd.tile.s32 @!p0 $0x1;
	_ =	shalt  }
.Lfunc_end2:
_tile_overlayer_lowered:
.L_overlay_start_2:
0x64: {  	(tag) =	ssettag $0x2  }
0x65: {  	s0 =	rddreg [dreg:$0x0];
	s2 =	stileid.u32  }
0x66: {  	s1 =	rddreg [dreg:$0x1];
	p0 =	sne.s32 s2, $0x0  }
0x67: {  	s3 =	rddreg [dreg:$0x2];
	[bflag:$0x3] =	sbarrier.arrive $0xFFFF;
	s2 =	simm.s32 @!p0 $0x1C09  }
0x68: {  	[timem:s3], [sflag:s2] =	dma.local @!p0 [hbm:s0], s1  }
0x69: {  	s0 =	simm.s32 @!p0 $0x9  }
0x6a: {  	_ =	swait.ge @!p0 [sflag:s0], s1  }
0x6b: {  	s1 =	ssub.s32 @!p0 $0x0, s1;
	[sflag:s0] =	ssyncset.done @!p0 $0x0  }
0x6c: {  	[sflag:s0] =	ssyncadd.s32 @!p0 s1  }
0x6d: {  	[bflag:$0x3] =	sbarrier.arrive $0xFFFF  }
0x6e: {  	_ =	shalt  }

</sc_bundles>
